<compile_context>
chip_gen: v7x
topology: tpu7x:2x2x1
jax: 0.10.2.dev20260603
libtpu: 0.0.44.dev20260713+nightly
codegen_flags: <defaults>
</compile_context>

<pallas_src>
import functools
import jax
import jax.numpy as jnp
from jax import lax
from jax.experimental import pallas as pl
from jax.experimental.pallas import tpu as pltpu
from jax.experimental.pallas import tpu_sc as plsc

N_NODES = 100000
N_GRAPHS = 1024
F_X = 4
F_U = 1
HID = F_U + F_X
ROW = 8
CHUNK = 4000
NW = N_NODES // CHUNK
NVEC = CHUNK // 16

_mesh = plsc.VectorSubcoreMesh(core_axis_name="c", subcore_axis_name="s")


def _sc_pool_body(xt_hbm, b_hbm, zero_hbm, acc_hbm,
                  xcol_v, x_v, idx_v, acc_sh, sem):
    c = lax.axis_index("c")
    s = lax.axis_index("s")
    wid = s * 2 + c

    @pl.when(s == 0)
    def _():
        pltpu.sync_copy(zero_hbm, acc_sh)

    plsc.subcore_barrier()

    @pl.when(wid < NW)
    def _():
        n0 = wid * CHUNK
        copies = [
            pltpu.async_copy(xt_hbm.at[pl.ds(f * N_NODES + n0, CHUNK)],
                             xcol_v.at[f, :], sem)
            for f in range(F_X)
        ]
        pltpu.sync_copy(b_hbm.at[pl.ds(n0, CHUNK)], idx_v)
        for cp in copies:
            cp.wait()

        lanes = lax.iota(jnp.int32, 16)
        ones_vec = jnp.full((16,), 1.0, jnp.float32)
        col_ones = jnp.full((16,), F_X, jnp.int32)

        def build(k, carry):
            rows = lanes + 16 * k
            for f in range(F_X):
                vals = xcol_v[f, pl.ds(16 * k, 16)]
                plsc.store_scatter(x_v, [rows, jnp.full((16,), f, jnp.int32)],
                                   vals)
            plsc.store_scatter(x_v, [rows, col_ones], ones_vec)
            return carry

        lax.fori_loop(0, NVEC, build, 0)
        pltpu.sync_copy(x_v, acc_sh.at[idx_v], add=True)

    plsc.subcore_barrier()

    @pl.when(s == 0)
    def _():
        pltpu.sync_copy(acc_sh, acc_hbm.at[c])


_sc_pool = functools.partial(
    pl.kernel,
    out_type=jax.ShapeDtypeStruct((2, N_GRAPHS, ROW), jnp.float32),
    mesh=_mesh,
    compiler_params=pltpu.CompilerParams(use_tc_tiling_on_sc=False,
                                         needs_layout_passes=False),
    scratch_types=[
        pltpu.VMEM((F_X, CHUNK), jnp.float32),
        pltpu.VMEM((CHUNK, ROW), jnp.float32),
        pltpu.VMEM((CHUNK,), jnp.int32),
        pltpu.VMEM_SHARED((N_GRAPHS, ROW), jnp.float32),
        pltpu.SemaphoreType.DMA,
    ],
)(_sc_pool_body)


def _mlp_body(p_ref, u_ref, w1t_ref, b1_ref, w2t_ref, b2_ref, o_ref):
    tot = p_ref[0] + p_ref[1]
    pooled = tot[:, :F_X] / jnp.maximum(tot[:, F_X:F_X + 1], 1.0)
    feats = jnp.concatenate([u_ref[...], pooled], axis=1)
    h = jax.lax.dot(feats, w1t_ref[...],
                    precision=jax.lax.Precision.HIGHEST) + b1_ref[...]
    h = jnp.where(h > 0, h, 0.1 * h)
    o_ref[...] = jax.lax.dot(h, w2t_ref[...],
                             precision=jax.lax.Precision.HIGHEST) + b2_ref[...]


def kernel(x, edge_index, edge_attr, u, batch, W1, b1, W2, b2):
    del edge_index, edge_attr
    b32 = batch.astype(jnp.int32)
    zero = jnp.zeros((N_GRAPHS, ROW), jnp.float32)

    acc = _sc_pool(x.T.reshape(F_X * N_NODES), b32, zero)

    y = pl.pallas_call(
        _mlp_body,
        out_shape=jax.ShapeDtypeStruct((N_GRAPHS, F_U), jnp.float32),
    )(
        acc,
        u,
        W1.T,
        b1.reshape(1, HID),
        W2.T,
        b2.reshape(1, F_U),
    )
    return y

# --- scband reference (transcript-rebuilt; emitter-appended) ---
"""Pipeline reference for scband-global-model-84396107366555 (READ-ONLY COPY).

The authoritative reference and input builder live on the scoring server;
editing this copy changes nothing except your own understanding.
"""

import jax, jax.numpy as jnp
import numpy as np

N_NODES = 100000
N_EDGES = 3200000
N_GRAPHS = 1024
F_X = 4
F_U = 1
HID = F_U + F_X  # 5


def setup_inputs(seed: int = 0) -> dict:
    key = jax.random.key(seed)
    k_x, k_ei, k_ea, k_u, k_b, k_w1, k_b1, k_w2, k_b2 = jax.random.split(key, 9)
    x = jax.random.normal(k_x, (N_NODES, F_X), dtype=jnp.float32)
    edge_index = jax.random.randint(k_ei, (2, N_EDGES), 0, N_NODES, dtype=jnp.int64)
    edge_attr = jax.random.normal(k_ea, (N_EDGES, 4), dtype=jnp.float32)
    u = jax.random.normal(k_u, (N_GRAPHS, F_U), dtype=jnp.float32)
    batch = jnp.sort(jax.random.randint(k_b, (N_NODES,), 0, N_GRAPHS, dtype=jnp.int64))
    # torch Linear params: weight [out, in], bias [out]; kaiming-uniform-ish init
    bound1 = 1.0 / np.sqrt(HID)
    W1 = jax.random.uniform(k_w1, (HID, HID), dtype=jnp.float32, minval=-bound1, maxval=bound1)
    b1 = jax.random.uniform(k_b1, (HID,), dtype=jnp.float32, minval=-bound1, maxval=bound1)
    W2 = jax.random.uniform(k_w2, (F_U, HID), dtype=jnp.float32, minval=-bound1, maxval=bound1)
    b2 = jax.random.uniform(k_b2, (F_U,), dtype=jnp.float32, minval=-bound1, maxval=bound1)
    return {"x": x, "edge_index": edge_index, "edge_attr": edge_attr, "u": u, "batch": batch,
            "W1": W1, "b1": b1, "W2": W2, "b2": b2}


def _scatter_mean(x, batch, num_segments):
    sums = jax.ops.segment_sum(x, batch, num_segments=num_segments)
    counts = jax.ops.segment_sum(jnp.ones((x.shape[0],), dtype=x.dtype), batch, num_segments=num_segments)
    return sums / jnp.clip(counts, 1.0, None)[:, None]


def reference(x, edge_index, edge_attr, u, batch, W1, b1, W2, b2):
    # edge_index and edge_attr are unused by GlobalModel.forward (kept for signature parity)
    pooled = _scatter_mean(x, batch, N_GRAPHS)              # [B, F_x]
    out = jnp.concatenate([u, pooled], axis=1)              # [B, F_u + F_x]
    h = out @ W1.T + b1                                     # Lin(5, 5)
    h = jnp.where(h > 0, h, 0.1 * h)                        # LeakyReLU(0.1)
    y = h @ W2.T + b2                                       # Lin(5, 1)
    return y

if __name__ == "__main__":
    import jax
    _d = setup_inputs()
    print(jax.jit(kernel)(*tuple(_d.values())))

</pallas_src>

<mosaic_0001>
#map = affine_map<(d0, d1) -> (0)>
#map1 = affine_map<(d0, d1) -> (0, 0)>
#map2 = affine_map<(d0, d1) -> (0, 0, 0)>
module attributes {stable_mosaic.version = 14 : i64} {
  func.func @_sc_pool_body(%arg0: i32, %arg1: i32, %arg2: memref<400000xf32, #tpu.memory_space<hbm>>, %arg3: memref<100000xi32, #tpu.memory_space<hbm>>, %arg4: memref<1024x8xf32, #tpu.memory_space<hbm>>, %arg5: memref<2x1024x8xf32, #tpu.memory_space<hbm>>, %arg6: memref<4x4000xf32, #tpu.memory_space<vmem>>, %arg7: memref<4000x8xf32, #tpu.memory_space<vmem>>, %arg8: memref<4000xi32, #tpu.memory_space<vmem>>, %arg9: memref<1024x8xf32, #tpu.memory_space<vmem_shared>>, %arg10: memref<!tpu.dma_semaphore, #tpu.memory_space<semaphore_mem>>) attributes {dimension_semantics = [#tpu.dimension_semantics<core_parallel>, #tpu.dimension_semantics<subcore_parallel>], iteration_bounds = array<i64: 2, 16>, scalar_prefetch = 0 : i64, scratch_operands = 5 : i64, tpu.core_type = #tpu.core_type<sc_vector_subcore>, window_params = [{transform_indices = #map}, {transform_indices = #map}, {transform_indices = #map1}, {transform_indices = #map2}]} {
    %mul3A = arith.constant 2 : i32
    %mul3A_0 = arith.muli %arg1, %mul3A : i32
    %add3A = arith.addi %mul3A_0, %arg0 : i32
    %eq3A = arith.constant 0 : i32
    %eq3A_1 = arith.cmpi eq, %arg1, %eq3A : i32
    %convert_element_type3A = arith.extui %eq3A_1 : i1 to i32
    %cond3A = arith.constant 0 : i32
    %cond3A_2 = arith.cmpi ne, %convert_element_type3A, %cond3A : i32
    scf.if %cond3A_2 {
      "tpu.region"() ({
        %run_scoped3A = tpu.sem_alloc : memref<!tpu.dma_semaphore, #tpu.memory_space<semaphore_mem>>
        tpu.enqueue_dma source(%arg4 : memref<1024x8xf32, #tpu.memory_space<hbm>>) target(%arg9 : memref<1024x8xf32, #tpu.memory_space<vmem_shared>>) target_semaphore(%run_scoped3A : memref<!tpu.dma_semaphore, #tpu.memory_space<semaphore_mem>>)
        tpu.wait_dma2 semaphore(%run_scoped3A : memref<!tpu.dma_semaphore, #tpu.memory_space<semaphore_mem>>) src(%arg4 : memref<1024x8xf32, #tpu.memory_space<hbm>>) dst(%arg9 : memref<1024x8xf32, #tpu.memory_space<vmem_shared>>)
        tpu.yield
      }) : () -> ()
    } else {
    }
    %barrier3A = arith.constant 0 : index
    tpu.barrier barrier_id(%barrier3A)
    %lt3A = arith.constant 25 : i32
    %lt3A_3 = arith.cmpi slt, %add3A, %lt3A : i32
    %convert_element_type3A_4 = arith.extui %lt3A_3 : i1 to i32
    %cond3A_5 = arith.constant 0 : i32
    %cond3A_6 = arith.cmpi ne, %convert_element_type3A_4, %cond3A_5 : i32
    scf.if %cond3A_6 {
      %mul3A_13 = arith.constant 4000 : i32
      %mul3A_14 = arith.muli %add3A, %mul3A_13 : i32
      %add3A_15 = arith.constant 0 : i32
      %add3A_16 = arith.addi %add3A_15, %mul3A_14 : i32
      %dma_start3A = arith.constant 0 : i32
      %dma_start3A_17 = arith.constant 0 : i32
      %dma_start3A_18 = tpu.memref_slice %arg6[%dma_start3A, %dma_start3A_17] : memref<4x4000xf32, #tpu.memory_space<vmem>> -> memref<1x4000xf32, #tpu.memory_space<vmem>>
      %dma_start3A_19 = tpu.memref_squeeze %dma_start3A_18 : memref<1x4000xf32, #tpu.memory_space<vmem>> -> memref<4000xf32, #tpu.memory_space<vmem>>
      %dma_start3A_20 = tpu.memref_slice %arg2[%add3A_16] : memref<400000xf32, #tpu.memory_space<hbm>> -> memref<4000xf32, #tpu.memory_space<hbm>>
      %dma_start3A_21 = arith.constant 0 : i32
      %dma_start3A_22 = tpu.memref_slice %arg6[%dma_start3A, %dma_start3A_21] : memref<4x4000xf32, #tpu.memory_space<vmem>> -> memref<1x4000xf32, #tpu.memory_space<vmem>>
      %dma_start3A_23 = tpu.memref_squeeze %dma_start3A_22 : memref<1x4000xf32, #tpu.memory_space<vmem>> -> memref<4000xf32, #tpu.memory_space<vmem>>
      %dma_start3A_24 = tpu.memref_slice %arg2[%add3A_16] : memref<400000xf32, #tpu.memory_space<hbm>> -> memref<4000xf32, #tpu.memory_space<hbm>>
      tpu.enqueue_dma source(%dma_start3A_24 : memref<4000xf32, #tpu.memory_space<hbm>>) target(%dma_start3A_23 : memref<4000xf32, #tpu.memory_space<vmem>>) target_semaphore(%arg10 : memref<!tpu.dma_semaphore, #tpu.memory_space<semaphore_mem>>)
      %add3A_25 = arith.constant 100000 : i32
      %add3A_26 = arith.addi %add3A_25, %mul3A_14 : i32
      %dma_start3A_27 = arith.constant 1 : i32
      %dma_start3A_28 = arith.constant 0 : i32
      %dma_start3A_29 = tpu.memref_slice %arg6[%dma_start3A_27, %dma_start3A_28] : memref<4x4000xf32, #tpu.memory_space<vmem>> -> memref<1x4000xf32, #tpu.memory_space<vmem>>
      %dma_start3A_30 = tpu.memref_squeeze %dma_start3A_29 : memref<1x4000xf32, #tpu.memory_space<vmem>> -> memref<4000xf32, #tpu.memory_space<vmem>>
      %dma_start3A_31 = tpu.memref_slice %arg2[%add3A_26] : memref<400000xf32, #tpu.memory_space<hbm>> -> memref<4000xf32, #tpu.memory_space<hbm>>
      %dma_start3A_32 = arith.constant 0 : i32
      %dma_start3A_33 = tpu.memref_slice %arg6[%dma_start3A_27, %dma_start3A_32] : memref<4x4000xf32, #tpu.memory_space<vmem>> -> memref<1x4000xf32, #tpu.memory_space<vmem>>
      %dma_start3A_34 = tpu.memref_squeeze %dma_start3A_33 : memref<1x4000xf32, #tpu.memory_space<vmem>> -> memref<4000xf32, #tpu.memory_space<vmem>>
      %dma_start3A_35 = tpu.memref_slice %arg2[%add3A_26] : memref<400000xf32, #tpu.memory_space<hbm>> -> memref<4000xf32, #tpu.memory_space<hbm>>
      tpu.enqueue_dma source(%dma_start3A_35 : memref<4000xf32, #tpu.memory_space<hbm>>) target(%dma_start3A_34 : memref<4000xf32, #tpu.memory_space<vmem>>) target_semaphore(%arg10 : memref<!tpu.dma_semaphore, #tpu.memory_space<semaphore_mem>>)
      %add3A_36 = arith.constant 200000 : i32
      %add3A_37 = arith.addi %add3A_36, %mul3A_14 : i32
      %dma_start3A_38 = arith.constant 2 : i32
      %dma_start3A_39 = arith.constant 0 : i32
      %dma_start3A_40 = tpu.memref_slice %arg6[%dma_start3A_38, %dma_start3A_39] : memref<4x4000xf32, #tpu.memory_space<vmem>> -> memref<1x4000xf32, #tpu.memory_space<vmem>>
      %dma_start3A_41 = tpu.memref_squeeze %dma_start3A_40 : memref<1x4000xf32, #tpu.memory_space<vmem>> -> memref<4000xf32, #tpu.memory_space<vmem>>
      %dma_start3A_42 = tpu.memref_slice %arg2[%add3A_37] : memref<400000xf32, #tpu.memory_space<hbm>> -> memref<4000xf32, #tpu.memory_space<hbm>>
      %dma_start3A_43 = arith.constant 0 : i32
      %dma_start3A_44 = tpu.memref_slice %arg6[%dma_start3A_38, %dma_start3A_43] : memref<4x4000xf32, #tpu.memory_space<vmem>> -> memref<1x4000xf32, #tpu.memory_space<vmem>>
      %dma_start3A_45 = tpu.memref_squeeze %dma_start3A_44 : memref<1x4000xf32, #tpu.memory_space<vmem>> -> memref<4000xf32, #tpu.memory_space<vmem>>
      %dma_start3A_46 = tpu.memref_slice %arg2[%add3A_37] : memref<400000xf32, #tpu.memory_space<hbm>> -> memref<4000xf32, #tpu.memory_space<hbm>>
      tpu.enqueue_dma source(%dma_start3A_46 : memref<4000xf32, #tpu.memory_space<hbm>>) target(%dma_start3A_45 : memref<4000xf32, #tpu.memory_space<vmem>>) target_semaphore(%arg10 : memref<!tpu.dma_semaphore, #tpu.memory_space<semaphore_mem>>)
      %add3A_47 = arith.constant 300000 : i32
      %add3A_48 = arith.addi %add3A_47, %mul3A_14 : i32
      %dma_start3A_49 = arith.constant 3 : i32
      %dma_start3A_50 = arith.constant 0 : i32
      %dma_start3A_51 = tpu.memref_slice %arg6[%dma_start3A_49, %dma_start3A_50] : memref<4x4000xf32, #tpu.memory_space<vmem>> -> memref<1x4000xf32, #tpu.memory_space<vmem>>
      %dma_start3A_52 = tpu.memref_squeeze %dma_start3A_51 : memref<1x4000xf32, #tpu.memory_space<vmem>> -> memref<4000xf32, #tpu.memory_space<vmem>>
      %dma_start3A_53 = tpu.memref_slice %arg2[%add3A_48] : memref<400000xf32, #tpu.memory_space<hbm>> -> memref<4000xf32, #tpu.memory_space<hbm>>
      %dma_start3A_54 = arith.constant 0 : i32
      %dma_start3A_55 = tpu.memref_slice %arg6[%dma_start3A_49, %dma_start3A_54] : memref<4x4000xf32, #tpu.memory_space<vmem>> -> memref<1x4000xf32, #tpu.memory_space<vmem>>
      %dma_start3A_56 = tpu.memref_squeeze %dma_start3A_55 : memref<1x4000xf32, #tpu.memory_space<vmem>> -> memref<4000xf32, #tpu.memory_space<vmem>>
      %dma_start3A_57 = tpu.memref_slice %arg2[%add3A_48] : memref<400000xf32, #tpu.memory_space<hbm>> -> memref<4000xf32, #tpu.memory_space<hbm>>
      tpu.enqueue_dma source(%dma_start3A_57 : memref<4000xf32, #tpu.memory_space<hbm>>) target(%dma_start3A_56 : memref<4000xf32, #tpu.memory_space<vmem>>) target_semaphore(%arg10 : memref<!tpu.dma_semaphore, #tpu.memory_space<semaphore_mem>>)
      "tpu.region"() ({
        %run_scoped3A = tpu.sem_alloc : memref<!tpu.dma_semaphore, #tpu.memory_space<semaphore_mem>>
        %dma_start3A_101 = tpu.memref_slice %arg3[%mul3A_14] : memref<100000xi32, #tpu.memory_space<hbm>> -> memref<4000xi32, #tpu.memory_space<hbm>>
        %dma_start3A_102 = tpu.memref_slice %arg3[%mul3A_14] : memref<100000xi32, #tpu.memory_space<hbm>> -> memref<4000xi32, #tpu.memory_space<hbm>>
        tpu.enqueue_dma source(%dma_start3A_102 : memref<4000xi32, #tpu.memory_space<hbm>>) target(%arg8 : memref<4000xi32, #tpu.memory_space<vmem>>) target_semaphore(%run_scoped3A : memref<!tpu.dma_semaphore, #tpu.memory_space<semaphore_mem>>)
        %dma_wait3A_103 = tpu.memref_slice %arg3[%mul3A_14] : memref<100000xi32, #tpu.memory_space<hbm>> -> memref<4000xi32, #tpu.memory_space<hbm>>
        %dma_wait3A_104 = tpu.memref_slice %arg3[%mul3A_14] : memref<100000xi32, #tpu.memory_space<hbm>> -> memref<4000xi32, #tpu.memory_space<hbm>>
        tpu.wait_dma2 semaphore(%run_scoped3A : memref<!tpu.dma_semaphore, #tpu.memory_space<semaphore_mem>>) src(%dma_wait3A_104 : memref<4000xi32, #tpu.memory_space<hbm>>) dst(%arg8 : memref<4000xi32, #tpu.memory_space<vmem>>)
        tpu.yield
      }) : () -> ()
      %dma_wait3A = arith.constant 0 : i32
      %dma_wait3A_58 = arith.constant 0 : i32
      %dma_wait3A_59 = tpu.memref_slice %arg6[%dma_wait3A, %dma_wait3A_58] : memref<4x4000xf32, #tpu.memory_space<vmem>> -> memref<1x4000xf32, #tpu.memory_space<vmem>>
      %dma_wait3A_60 = tpu.memref_squeeze %dma_wait3A_59 : memref<1x4000xf32, #tpu.memory_space<vmem>> -> memref<4000xf32, #tpu.memory_space<vmem>>
      %dma_wait3A_61 = tpu.memref_slice %arg2[%add3A_16] : memref<400000xf32, #tpu.memory_space<hbm>> -> memref<4000xf32, #tpu.memory_space<hbm>>
      %dma_wait3A_62 = arith.constant 0 : i32
      %dma_wait3A_63 = tpu.memref_slice %arg6[%dma_wait3A, %dma_wait3A_62] : memref<4x4000xf32, #tpu.memory_space<vmem>> -> memref<1x4000xf32, #tpu.memory_space<vmem>>
      %dma_wait3A_64 = tpu.memref_squeeze %dma_wait3A_63 : memref<1x4000xf32, #tpu.memory_space<vmem>> -> memref<4000xf32, #tpu.memory_space<vmem>>
      %dma_wait3A_65 = tpu.memref_slice %arg2[%add3A_16] : memref<400000xf32, #tpu.memory_space<hbm>> -> memref<4000xf32, #tpu.memory_space<hbm>>
      tpu.wait_dma2 semaphore(%arg10 : memref<!tpu.dma_semaphore, #tpu.memory_space<semaphore_mem>>) src(%dma_wait3A_65 : memref<4000xf32, #tpu.memory_space<hbm>>) dst(%dma_wait3A_64 : memref<4000xf32, #tpu.memory_space<vmem>>)
      %dma_wait3A_66 = arith.constant 1 : i32
      %dma_wait3A_67 = arith.constant 0 : i32
      %dma_wait3A_68 = tpu.memref_slice %arg6[%dma_wait3A_66, %dma_wait3A_67] : memref<4x4000xf32, #tpu.memory_space<vmem>> -> memref<1x4000xf32, #tpu.memory_space<vmem>>
      %dma_wait3A_69 = tpu.memref_squeeze %dma_wait3A_68 : memref<1x4000xf32, #tpu.memory_space<vmem>> -> memref<4000xf32, #tpu.memory_space<vmem>>
      %dma_wait3A_70 = tpu.memref_slice %arg2[%add3A_26] : memref<400000xf32, #tpu.memory_space<hbm>> -> memref<4000xf32, #tpu.memory_space<hbm>>
      %dma_wait3A_71 = arith.constant 0 : i32
      %dma_wait3A_72 = tpu.memref_slice %arg6[%dma_wait3A_66, %dma_wait3A_71] : memref<4x4000xf32, #tpu.memory_space<vmem>> -> memref<1x4000xf32, #tpu.memory_space<vmem>>
      %dma_wait3A_73 = tpu.memref_squeeze %dma_wait3A_72 : memref<1x4000xf32, #tpu.memory_space<vmem>> -> memref<4000xf32, #tpu.memory_space<vmem>>
      %dma_wait3A_74 = tpu.memref_slice %arg2[%add3A_26] : memref<400000xf32, #tpu.memory_space<hbm>> -> memref<4000xf32, #tpu.memory_space<hbm>>
      tpu.wait_dma2 semaphore(%arg10 : memref<!tpu.dma_semaphore, #tpu.memory_space<semaphore_mem>>) src(%dma_wait3A_74 : memref<4000xf32, #tpu.memory_space<hbm>>) dst(%dma_wait3A_73 : memref<4000xf32, #tpu.memory_space<vmem>>)
      %dma_wait3A_75 = arith.constant 2 : i32
      %dma_wait3A_76 = arith.constant 0 : i32
      %dma_wait3A_77 = tpu.memref_slice %arg6[%dma_wait3A_75, %dma_wait3A_76] : memref<4x4000xf32, #tpu.memory_space<vmem>> -> memref<1x4000xf32, #tpu.memory_space<vmem>>
      %dma_wait3A_78 = tpu.memref_squeeze %dma_wait3A_77 : memref<1x4000xf32, #tpu.memory_space<vmem>> -> memref<4000xf32, #tpu.memory_space<vmem>>
      %dma_wait3A_79 = tpu.memref_slice %arg2[%add3A_37] : memref<400000xf32, #tpu.memory_space<hbm>> -> memref<4000xf32, #tpu.memory_space<hbm>>
      %dma_wait3A_80 = arith.constant 0 : i32
      %dma_wait3A_81 = tpu.memref_slice %arg6[%dma_wait3A_75, %dma_wait3A_80] : memref<4x4000xf32, #tpu.memory_space<vmem>> -> memref<1x4000xf32, #tpu.memory_space<vmem>>
      %dma_wait3A_82 = tpu.memref_squeeze %dma_wait3A_81 : memref<1x4000xf32, #tpu.memory_space<vmem>> -> memref<4000xf32, #tpu.memory_space<vmem>>
      %dma_wait3A_83 = tpu.memref_slice %arg2[%add3A_37] : memref<400000xf32, #tpu.memory_space<hbm>> -> memref<4000xf32, #tpu.memory_space<hbm>>
      tpu.wait_dma2 semaphore(%arg10 : memref<!tpu.dma_semaphore, #tpu.memory_space<semaphore_mem>>) src(%dma_wait3A_83 : memref<4000xf32, #tpu.memory_space<hbm>>) dst(%dma_wait3A_82 : memref<4000xf32, #tpu.memory_space<vmem>>)
      %dma_wait3A_84 = arith.constant 3 : i32
      %dma_wait3A_85 = arith.constant 0 : i32
      %dma_wait3A_86 = tpu.memref_slice %arg6[%dma_wait3A_84, %dma_wait3A_85] : memref<4x4000xf32, #tpu.memory_space<vmem>> -> memref<1x4000xf32, #tpu.memory_space<vmem>>
      %dma_wait3A_87 = tpu.memref_squeeze %dma_wait3A_86 : memref<1x4000xf32, #tpu.memory_space<vmem>> -> memref<4000xf32, #tpu.memory_space<vmem>>
      %dma_wait3A_88 = tpu.memref_slice %arg2[%add3A_48] : memref<400000xf32, #tpu.memory_space<hbm>> -> memref<4000xf32, #tpu.memory_space<hbm>>
      %dma_wait3A_89 = arith.constant 0 : i32
      %dma_wait3A_90 = tpu.memref_slice %arg6[%dma_wait3A_84, %dma_wait3A_89] : memref<4x4000xf32, #tpu.memory_space<vmem>> -> memref<1x4000xf32, #tpu.memory_space<vmem>>
      %dma_wait3A_91 = tpu.memref_squeeze %dma_wait3A_90 : memref<1x4000xf32, #tpu.memory_space<vmem>> -> memref<4000xf32, #tpu.memory_space<vmem>>
      %dma_wait3A_92 = tpu.memref_slice %arg2[%add3A_48] : memref<400000xf32, #tpu.memory_space<hbm>> -> memref<4000xf32, #tpu.memory_space<hbm>>
      tpu.wait_dma2 semaphore(%arg10 : memref<!tpu.dma_semaphore, #tpu.memory_space<semaphore_mem>>) src(%dma_wait3A_92 : memref<4000xf32, #tpu.memory_space<hbm>>) dst(%dma_wait3A_91 : memref<4000xf32, #tpu.memory_space<vmem>>)
      %iota3A = tpu.iota {dimensions = array<i32: 0>} : vector<16xi32>
      %broadcast_in_dim3A = arith.constant 1.000000e+00 : f32
      %broadcast_in_dim3A_93 = vector.broadcast %broadcast_in_dim3A : f32 to vector<16xf32>
      %broadcast_in_dim3A_94 = arith.constant 4 : i32
      %broadcast_in_dim3A_95 = vector.broadcast %broadcast_in_dim3A_94 : i32 to vector<16xi32>
      %scan3A = arith.constant 0 : i32
      %scan3A_96 = arith.constant 0 : i32
      %scan3A_97 = arith.constant 250 : i32
      %scan3A_98 = arith.addi %scan3A_96, %scan3A_97 : i32
      %scan3A_99 = arith.constant 1 : i32
      scf.for %scan3A_101 = %scan3A_96 to %scan3A_98 step %scan3A_99  : i32 {
        %mul3A_102 = arith.constant 16 : i32
        %mul3A_103 = arith.muli %mul3A_102, %scan3A_101 : i32
        %add3A_104 = vector.broadcast %mul3A_103 : i32 to vector<16xi32>
        %add3A_105 = arith.addi %iota3A, %add3A_104 : vector<16xi32>
        %mul3A_106 = arith.constant 16 : i32
        %mul3A_107 = arith.muli %mul3A_106, %scan3A_101 : i32
        %get3A = arith.constant 0 : i32
        %get3A_108 = arith.index_cast %get3A : i32 to index
        %get3A_109 = arith.index_cast %mul3A_107 : i32 to index
        %get3A_110 = tpu.vector_load %arg6[%get3A_108, %get3A_109] {strides = array<i32>} : memref<4x4000xf32, #tpu.memory_space<vmem>>, vector<16xf32>,
        %broadcast_in_dim3A_111 = arith.constant 0 : i32
        %broadcast_in_dim3A_112 = vector.broadcast %broadcast_in_dim3A_111 : i32 to vector<16xi32>
        tpu.vector_store_idx %arg7[%add3A_105, %broadcast_in_dim3A_112], %get3A_110 : memref<4000x8xf32, #tpu.memory_space<vmem>>[vector<16xi32>, vector<16xi32>], vector<16xf32>,
        %mul3A_113 = arith.constant 16 : i32
        %mul3A_114 = arith.muli %mul3A_113, %scan3A_101 : i32
        %get3A_115 = arith.constant 1 : i32
        %get3A_116 = arith.index_cast %get3A_115 : i32 to index
        %get3A_117 = arith.index_cast %mul3A_114 : i32 to index
        %get3A_118 = tpu.vector_load %arg6[%get3A_116, %get3A_117] {strides = array<i32>} : memref<4x4000xf32, #tpu.memory_space<vmem>>, vector<16xf32>,
        %broadcast_in_dim3A_119 = arith.constant 1 : i32
        %broadcast_in_dim3A_120 = vector.broadcast %broadcast_in_dim3A_119 : i32 to vector<16xi32>
        tpu.vector_store_idx %arg7[%add3A_105, %broadcast_in_dim3A_120], %get3A_118 : memref<4000x8xf32, #tpu.memory_space<vmem>>[vector<16xi32>, vector<16xi32>], vector<16xf32>,
        %mul3A_121 = arith.constant 16 : i32
        %mul3A_122 = arith.muli %mul3A_121, %scan3A_101 : i32
        %get3A_123 = arith.constant 2 : i32
        %get3A_124 = arith.index_cast %get3A_123 : i32 to index
        %get3A_125 = arith.index_cast %mul3A_122 : i32 to index
        %get3A_126 = tpu.vector_load %arg6[%get3A_124, %get3A_125] {strides = array<i32>} : memref<4x4000xf32, #tpu.memory_space<vmem>>, vector<16xf32>,
        %broadcast_in_dim3A_127 = arith.constant 2 : i32
        %broadcast_in_dim3A_128 = vector.broadcast %broadcast_in_dim3A_127 : i32 to vector<16xi32>
        tpu.vector_store_idx %arg7[%add3A_105, %broadcast_in_dim3A_128], %get3A_126 : memref<4000x8xf32, #tpu.memory_space<vmem>>[vector<16xi32>, vector<16xi32>], vector<16xf32>,
        %mul3A_129 = arith.constant 16 : i32
        %mul3A_130 = arith.muli %mul3A_129, %scan3A_101 : i32
        %get3A_131 = arith.constant 3 : i32
        %get3A_132 = arith.index_cast %get3A_131 : i32 to index
        %get3A_133 = arith.index_cast %mul3A_130 : i32 to index
        %get3A_134 = tpu.vector_load %arg6[%get3A_132, %get3A_133] {strides = array<i32>} : memref<4x4000xf32, #tpu.memory_space<vmem>>, vector<16xf32>,
        %broadcast_in_dim3A_135 = arith.constant 3 : i32
        %broadcast_in_dim3A_136 = vector.broadcast %broadcast_in_dim3A_135 : i32 to vector<16xi32>
        tpu.vector_store_idx %arg7[%add3A_105, %broadcast_in_dim3A_136], %get3A_134 : memref<4000x8xf32, #tpu.memory_space<vmem>>[vector<16xi32>, vector<16xi32>], vector<16xf32>,
        tpu.vector_store_idx %arg7[%add3A_105, %broadcast_in_dim3A_95], %broadcast_in_dim3A_93 : memref<4000x8xf32, #tpu.memory_space<vmem>>[vector<16xi32>, vector<16xi32>], vector<16xf32>,
      }
      %scan3A_100 = arith.constant 250 : i32
      "tpu.region"() ({
        %run_scoped3A = tpu.sem_alloc : memref<!tpu.dma_semaphore, #tpu.memory_space<semaphore_mem>>
        %dma_start3A_101 = arith.constant 0 : i32
        %dma_start3A_102 = arith.constant 0 : i32
        %dma_start3A_103 = tpu.memref_slice %arg9[%dma_start3A_101, %dma_start3A_102] : memref<1024x8xf32, #tpu.memory_space<vmem_shared>> -> memref<1024x8xf32, #tpu.memory_space<vmem_shared>>
        tpu.enqueue_indirect_dma source(%arg7 : memref<4000x8xf32, #tpu.memory_space<vmem>>) target(%dma_start3A_103 : memref<1024x8xf32, #tpu.memory_space<vmem_shared>>) offsets(%arg8 : memref<4000xi32, #tpu.memory_space<vmem>>) semaphore(%run_scoped3A : memref<!tpu.dma_semaphore, #tpu.memory_space<semaphore_mem>>) {add = true}
        %dma_wait3A_104 = arith.constant 0 : i32
        %dma_wait3A_105 = arith.constant 0 : i32
        %dma_wait3A_106 = tpu.memref_slice %arg9[%dma_wait3A_104, %dma_wait3A_105] : memref<1024x8xf32, #tpu.memory_space<vmem_shared>> -> memref<1024x8xf32, #tpu.memory_space<vmem_shared>>
        tpu.wait_indirect_dma semaphore(%run_scoped3A : memref<!tpu.dma_semaphore, #tpu.memory_space<semaphore_mem>>) src(%arg7 : memref<4000x8xf32, #tpu.memory_space<vmem>>) dst(%dma_wait3A_106 : memref<1024x8xf32, #tpu.memory_space<vmem_shared>>)
        tpu.yield
      }) : () -> ()
    } else {
    }
    %barrier3A_7 = arith.constant 0 : index
    tpu.barrier barrier_id(%barrier3A_7)
    %eq3A_8 = arith.constant 0 : i32
    %eq3A_9 = arith.cmpi eq, %arg1, %eq3A_8 : i32
    %convert_element_type3A_10 = arith.extui %eq3A_9 : i1 to i32
    %cond3A_11 = arith.constant 0 : i32
    %cond3A_12 = arith.cmpi ne, %convert_element_type3A_10, %cond3A_11 : i32
    scf.if %cond3A_12 {
      "tpu.region"() ({
        %run_scoped3A = tpu.sem_alloc : memref<!tpu.dma_semaphore, #tpu.memory_space<semaphore_mem>>
        %dma_start3A = arith.constant 0 : i32
        %dma_start3A_13 = arith.constant 0 : i32
        %dma_start3A_14 = tpu.memref_slice %arg5[%arg0, %dma_start3A, %dma_start3A_13] : memref<2x1024x8xf32, #tpu.memory_space<hbm>> -> memref<1x1024x8xf32, #tpu.memory_space<hbm>>
        %dma_start3A_15 = tpu.memref_squeeze %dma_start3A_14 : memref<1x1024x8xf32, #tpu.memory_space<hbm>> -> memref<1024x8xf32, #tpu.memory_space<hbm>>
        tpu.enqueue_dma source(%arg9 : memref<1024x8xf32, #tpu.memory_space<vmem_shared>>) target(%dma_start3A_15 : memref<1024x8xf32, #tpu.memory_space<hbm>>) target_semaphore(%run_scoped3A : memref<!tpu.dma_semaphore, #tpu.memory_space<semaphore_mem>>)
        %dma_wait3A = arith.constant 0 : i32
        %dma_wait3A_16 = arith.constant 0 : i32
        %dma_wait3A_17 = tpu.memref_slice %arg5[%arg0, %dma_wait3A, %dma_wait3A_16] : memref<2x1024x8xf32, #tpu.memory_space<hbm>> -> memref<1x1024x8xf32, #tpu.memory_space<hbm>>
        %dma_wait3A_18 = tpu.memref_squeeze %dma_wait3A_17 : memref<1x1024x8xf32, #tpu.memory_space<hbm>> -> memref<1024x8xf32, #tpu.memory_space<hbm>>
        tpu.wait_dma2 semaphore(%run_scoped3A : memref<!tpu.dma_semaphore, #tpu.memory_space<semaphore_mem>>) src(%arg9 : memref<1024x8xf32, #tpu.memory_space<vmem_shared>>) dst(%dma_wait3A_18 : memref<1024x8xf32, #tpu.memory_space<hbm>>)
        tpu.yield
      }) : () -> ()
    } else {
    }
    return
  }
}

module attributes {stable_mosaic.version = 14 : i64} {
  func.func @_mlp_body(%arg0: memref<2x1024x8xf32, #tpu.memory_space<vmem>>, %arg1: memref<1024x1xf32, #tpu.memory_space<vmem>>, %arg2: memref<5x5xf32, #tpu.memory_space<vmem>>, %arg3: memref<1x5xf32, #tpu.memory_space<vmem>>, %arg4: memref<5x1xf32, #tpu.memory_space<vmem>>, %arg5: memref<1x1xf32, #tpu.memory_space<vmem>>, %arg6: memref<1024x1xf32, #tpu.memory_space<vmem>>) attributes {dimension_semantics = [], scalar_prefetch = 0 : i64, scratch_operands = 0 : i64, tpu.core_type = #tpu.core_type<tc>} {
    %get3A = arith.constant 0 : index
    %get3A_0 = arith.constant 0 : index
    %get3A_1 = arith.constant 0 : index
    %get3A_2 = vector.load %arg0[%get3A, %get3A_0, %get3A_1] : memref<2x1024x8xf32, #tpu.memory_space<vmem>>, vector<1x1024x8xf32>
    %get3A_3 = vector.shape_cast %get3A_2 : vector<1x1024x8xf32> to vector<1024x8xf32>
    %get3A_4 = arith.constant 1 : index
    %get3A_5 = arith.constant 0 : index
    %get3A_6 = arith.constant 0 : index
    %get3A_7 = vector.load %arg0[%get3A_4, %get3A_5, %get3A_6] : memref<2x1024x8xf32, #tpu.memory_space<vmem>>, vector<1x1024x8xf32>
    %get3A_8 = vector.shape_cast %get3A_7 : vector<1x1024x8xf32> to vector<1024x8xf32>
    %add3A = arith.addf %get3A_3, %get3A_8 : vector<1024x8xf32>
    %slice3A = vector.extract_strided_slice %add3A {offsets = [0, 0], sizes = [1024, 4], strides = [1, 1]} : vector<1024x8xf32> to vector<1024x4xf32>
    %slice3A_9 = vector.extract_strided_slice %add3A {offsets = [0, 4], sizes = [1024, 1], strides = [1, 1]} : vector<1024x8xf32> to vector<1024x1xf32>
    %max3A = arith.constant 1.000000e+00 : f32
    %max3A_10 = vector.broadcast %max3A : f32 to vector<1024x1xf32>
    %max3A_11 = arith.maximumf %slice3A_9, %max3A_10 : vector<1024x1xf32>
    %div3A = vector.broadcast %max3A_11 : vector<1024x1xf32> to vector<1024x4xf32>
    %div3A_12 = arith.divf %slice3A, %div3A : vector<1024x4xf32>
    %get3A_13 = arith.constant 0 : index
    %get3A_14 = arith.constant 0 : index
    %get3A_15 = vector.load %arg1[%get3A_13, %get3A_14] : memref<1024x1xf32, #tpu.memory_space<vmem>>, vector<1024x1xf32>
    %concatenate3A = tpu.concatenate %get3A_15, %div3A_12 in 1 : vector<1024x1xf32>, vector<1024x4xf32> -> vector<1024x5xf32>
    %get3A_16 = arith.constant 0 : index
    %get3A_17 = arith.constant 0 : index
    %get3A_18 = vector.load %arg2[%get3A_16, %get3A_17] : memref<5x5xf32, #tpu.memory_space<vmem>>, vector<5x5xf32>
    %dot_general3A = arith.constant dense<0.000000e+00> : vector<1024x5xf32>
    %dot_general3A_19 = tpu.matmul %concatenate3A, %get3A_18, %dot_general3A {dimension_numbers = #tpu.dot_dimension_numbers<[1], [0], [0], [1], [0, 0, 1, 1], [], []>, precision = #tpu.contract_precision<fp32>, transpose_lhs_hint = false} : vector<1024x5xf32>, vector<5x5xf32>, vector<1024x5xf32> -> vector<1024x5xf32>
    %get3A_20 = arith.constant 0 : index
    %get3A_21 = arith.constant 0 : index
    %get3A_22 = vector.load %arg3[%get3A_20, %get3A_21] : memref<1x5xf32, #tpu.memory_space<vmem>>, vector<1x5xf32>
    %add3A_23 = vector.broadcast %get3A_22 : vector<1x5xf32> to vector<1024x5xf32>
    %add3A_24 = arith.addf %dot_general3A_19, %add3A_23 : vector<1024x5xf32>
    %gt3A = arith.constant 0.000000e+00 : f32
    %gt3A_25 = vector.broadcast %gt3A : f32 to vector<1024x5xf32>
    %gt3A_26 = arith.cmpf ogt, %add3A_24, %gt3A_25 : vector<1024x5xf32>
    %mul3A = arith.constant 1.000000e-01 : f32
    %mul3A_27 = vector.broadcast %mul3A : f32 to vector<1024x5xf32>
    %mul3A_28 = arith.mulf %mul3A_27, %add3A_24 : vector<1024x5xf32>
    %select_n3A = arith.select %gt3A_26, %add3A_24, %mul3A_28 : vector<1024x5xi1>, vector<1024x5xf32>
    %get3A_29 = arith.constant 0 : index
    %get3A_30 = arith.constant 0 : index
    %get3A_31 = vector.load %arg4[%get3A_29, %get3A_30] : memref<5x1xf32, #tpu.memory_space<vmem>>, vector<5x1xf32>
    %dot_general3A_32 = arith.constant dense<0.000000e+00> : vector<1024x1xf32>
    %dot_general3A_33 = tpu.matmul %select_n3A, %get3A_31, %dot_general3A_32 {dimension_numbers = #tpu.dot_dimension_numbers<[1], [0], [0], [1], [0, 0, 1, 1], [], []>, precision = #tpu.contract_precision<fp32>, transpose_lhs_hint = false} : vector<1024x5xf32>, vector<5x1xf32>, vector<1024x1xf32> -> vector<1024x1xf32>
    %get3A_34 = arith.constant 0 : index
    %get3A_35 = arith.constant 0 : index
    %get3A_36 = vector.load %arg5[%get3A_34, %get3A_35] : memref<1x1xf32, #tpu.memory_space<vmem>>, vector<1x1xf32>
    %add3A_37 = vector.broadcast %get3A_36 : vector<1x1xf32> to vector<1024x1xf32>
    %add3A_38 = arith.addf %dot_general3A_33, %add3A_37 : vector<1024x1xf32>
    %swap3A = arith.constant 0 : index
    %swap3A_39 = arith.constant 0 : index
    %swap3A_40 = vector.load %arg6[%swap3A, %swap3A_39] : memref<1024x1xf32, #tpu.memory_space<vmem>>, vector<1024x1xf32>
    tpu.vector_store %arg6[%swap3A, %swap3A_39], %add3A_38 {strides = array<i32>} : memref<1024x1xf32, #tpu.memory_space<vmem>>, vector<1024x1xf32>,
    return
  }
}

</mosaic_0001>

<sc_bundles>
// kernel: kernel.4.cloned.1.call-start
scs
__scs_entry_jumppad:
0x0: {  	(pc) =	sbr.rel $0x88, $3  }
0x1: {  	(tag) =	ssettag $0x0;
	lr =	simm.s32 $0x1  }
0x2: {  	[smem:$0x3F9A] =	sst lr;
	_ =	strace $0xD0000000  }
0x3: {  	_ = 	snop  }
0x4: {  	_ = 	snop  }
0x5: {  	_ = 	snop  }
0x6: {  	_ = 	snop  }
0x7: {  	_ = 	snop  }
__scs_overlays_trampoline_lowered:
0x8: {  	[smem:$0x3FA9] =	sst s0  }
0x9: {  	[smem:$0x3FAA] =	sst s1  }
0xa: {  	[smem:$0x3FAB] =	sst s2  }
0xb: {  	[smem:$0x3FAC] =	sst s3  }
0xc: {  	[smem:$0x3FAD] =	sst s4  }
0xd: {  	[smem:$0x3FAE] =	sst s5  }
0xe: {  	[smem:$0x3FAF] =	sst s6  }
0xf: {  	[smem:$0x3FB0] =	sst s7  }
0x10: {  	[smem:$0x3FB1] =	sst s8  }
0x11: {  	[smem:$0x3FB2] =	sst s9;
	s0 =	simm.s32 @!p0 $0x0  }
0x12: {  	s1 =	sld [smem:$0x3F98];
	s0 =	simm.s32 @p0 $0x1  }
0x13: {  	[smem:$0x3FB3] =	sst s0;
	s0 =	simm.s32 @!p1 $0x0  }
0x14: {  	s2 =	sld [smem:$0x3F97];
	s0 =	simm.s32 @p1 $0x1  }
0x15: {  	[smem:$0x3FB4] =	sst s0;
	s0 =	simm.s32 @!p2 $0x0  }
0x16: {  	s3 =	sld [smem:$0x3FDB];
	s0 =	simm.s32 @p2 $0x1  }
0x17: {  	s4 =	simm.s32 $0x1BF5;
	[smem:$0x3FB6] =	sst s0  }
0x18: {  	s0 =	sld [smem:$0x3F99];
	_ =	swait.ge [sflag:s4], $0x0  }
0x19: {  	s7 =	sld [smem:$0x3F9A]  }
0x1a: {  	s8 =	sadd.s32 $0xFFFFE003, lr  }
0x1b: {  	s9 =	sadd.s32 $0xFFFFFEF7, lr;
	s5 =	simm.s32 $0xFFFFFFFF;
	p2 =	slt.u32 s8, $0xFFFFF086  }
0x1c: {  	p1 =	slt.u32 s9, $0xF7A;
	s5 =	simm.s32 @!p2 $0x0  }
0x1d: {  	s5 =	simm.s32 @p1 $0x1;
	p0 =	seq.s32 s7, s2  }
0x1e: {  	s7 =	smul.u32 @!p0 $0xF7A, s2;
	p2 =	seq.s32 @!p0 s5, $0x0  }
0x1f: {  	s9 =	smul.u32 $0xF7A, s1;
	s8 =	simm.s32 @!p0 $0x1BF5;
	p2 =	por !p2, p0  }
0x20: {  	[sflag:s8] =	ssyncset.s32 @!p0 $0xFFFFF086;
	s6 =	sadd.s32 @!p0 s3, s7;
	s7 =	simm.s32 @!p0 $0x108  }
0x21: {  	s3 =	sadd.s32 s3, s9;
	s6 =	sadd.s32 @!p0 $0x88, s6;
	s7 =	simm.s32 @p2 $0x1082  }
0x22: {  	[simem:s7], [sflag:s8] =	dma.local @!p0 [hbm:s6], $0xF7A  }
0x23: {  	s9 =	sor.u32 $0xD0000000, s2;
	s6 =	simm.s32 $0x108;
	_ =	swait.ge @!p0 [sflag:s8], $0x0  }
0x24: {  	s3 =	sadd.s32 $0x88, s3;
	s6 =	simm.s32 @!p1 $0x1082;
	[sflag:s4] =	ssyncset.s32 $0xFFFFF086  }
0x25: {  	[simem:s6], [sflag:s4] =	dma.local [hbm:s3], $0xF7A  }
0x26: {  	[smem:$0x3F9A] =	sst s1;
	(tag) =	ssettag s2;
	_ =	strace s9  }
0x27: {  	s1 =	sld [smem:$0x3FAA]  }
0x28: {  	s2 =	sld [smem:$0x3FAB]  }
0x29: {  	s4 =	sld [smem:$0x3FAD]  }
0x2a: {  	p0 =	seq.s32 s5, $0x0;
	s5 =	sld [smem:$0x3FAE]  }
0x2b: {  	s6 =	sld [smem:$0x3FAF]  }
0x2c: {  	s7 =	sld [smem:$0x3FB0]  }
0x2d: {  	s3 =	simm.s32 $0x108;
	s8 =	sld [smem:$0x3FB1]  }
0x2e: {  	s3 =	simm.s32 @!p0 $0x1082;
	s9 =	sld [smem:$0x3FB2]  }
0x2f: {  	lr =	sadd.s32 s0, s3;
	s0 =	sld [smem:$0x3FA9]  }
0x30: {  	s3 =	sld [smem:$0x3FAC]  }
0x31: {  	[smem:$0x3FB5] =	sst s10  }
0x32: {  	s10 =	sld [smem:$0x3FB3];
	_ =	sdelay $0x3  }
0x33: {  	p0 =	seq.s32 s10, $0x1;
	s10 =	sld [smem:$0x3FB5];
	_ =	sdelay $0x3  }
0x34: {  	[smem:$0x3FB5] =	sst s10  }
0x35: {  	s10 =	sld [smem:$0x3FB4];
	_ =	sdelay $0x3  }
0x36: {  	p1 =	seq.s32 s10, $0x1;
	s10 =	sld [smem:$0x3FB5];
	_ =	sdelay $0x3  }
0x37: {  	[smem:$0x3FB5] =	sst s10  }
0x38: {  	s10 =	sld [smem:$0x3FB6]  }
0x39: {  	_ = 	snop;
	(pc) =	sbr.ind lr, $3  }
0x3a: {  	_ = 	snop  }
0x3b: {  	_ = 	snop  }
0x3c: {  	p2 =	seq.s32 s10, $0x1;
	s10 =	sld [smem:$0x3FB5]  }
0x3d: {  	_ =	shalt  }
0x3e: {  	_ =	shalt  }
0x3f: {  	_ =	shalt  }
0x40: {  	_ =	shalt  }
0x41: {  	_ =	shalt  }
0x42: {  	_ =	shalt  }
0x43: {  	_ =	shalt  }
0x44: {  	_ =	shalt  }
0x45: {  	_ =	shalt  }
0x46: {  	_ =	shalt  }
0x47: {  	_ =	shalt  }
0x48: {  	_ =	shalt  }
0x49: {  	_ =	shalt  }
0x4a: {  	_ =	shalt  }
0x4b: {  	_ =	shalt  }
0x4c: {  	_ =	shalt  }
0x4d: {  	_ =	shalt  }
0x4e: {  	_ =	shalt  }
0x4f: {  	_ =	shalt  }
0x50: {  	_ =	shalt  }
0x51: {  	_ =	shalt  }
0x52: {  	_ =	shalt  }
0x53: {  	_ =	shalt  }
0x54: {  	_ =	shalt  }
0x55: {  	_ =	shalt  }
0x56: {  	_ =	shalt  }
0x57: {  	_ =	shalt  }
0x58: {  	_ =	shalt  }
0x59: {  	_ =	shalt  }
0x5a: {  	_ =	shalt  }
0x5b: {  	_ =	shalt  }
0x5c: {  	_ =	shalt  }
0x5d: {  	_ =	shalt  }
0x5e: {  	_ =	shalt  }
0x5f: {  	_ =	shalt  }
0x60: {  	_ =	shalt  }
0x61: {  	_ =	shalt  }
0x62: {  	_ =	shalt  }
0x63: {  	_ =	shalt  }
0x64: {  	_ =	shalt  }
0x65: {  	_ =	shalt  }
0x66: {  	_ =	shalt  }
0x67: {  	_ =	shalt  }
0x68: {  	_ =	shalt  }
0x69: {  	_ =	shalt  }
0x6a: {  	_ =	shalt  }
0x6b: {  	_ =	shalt  }
0x6c: {  	_ =	shalt  }
0x6d: {  	_ =	shalt  }
0x6e: {  	_ =	shalt  }
0x6f: {  	_ =	shalt  }
0x70: {  	_ =	shalt  }
0x71: {  	_ =	shalt  }
0x72: {  	_ =	shalt  }
0x73: {  	_ =	shalt  }
0x74: {  	_ =	shalt  }
0x75: {  	_ =	shalt  }
0x76: {  	_ =	shalt  }
0x77: {  	_ =	shalt  }
0x78: {  	_ =	shalt  }
0x79: {  	_ =	shalt  }
0x7a: {  	_ =	shalt  }
0x7b: {  	_ =	shalt  }
0x7c: {  	_ =	shalt  }
0x7d: {  	_ =	shalt  }
0x7e: {  	_ =	shalt  }
0x7f: {  	_ =	shalt  }
0x80: {  	_ =	shalt  }
0x81: {  	_ =	shalt  }
0x82: {  	_ =	shalt  }
0x83: {  	_ =	shalt  }
0x84: {  	_ =	shalt  }
0x85: {  	_ =	shalt  }
0x86: {  	_ =	shalt  }
0x87: {  	_ =	shalt  }
.Lfunc_end0:
.L_simem_size_0:
called_computation_lowered:
.L_overlay_start_0:
0x88: {  	s2 =	sld [smem:$0x3FD9]  }
0x89: {  	s3 =	sld [smem:$0x3FFE];
	_ =	sdelay $0x1  }
0x8a: {  	s1 =	srdreg.scid  }
0x8b: {  	s0 =	sand.u32 $0x1, s1  }
0x8c: {  	s17 =	sshll.u32 s0, $0xA;
	s2 =	sadd.s32 s3, s2  }
0x8d: {  	s2 =	sadd.s32 s2, s17  }
0x8e: {  	[smem:$0x3FC1] =	sst s2  }
0x8f: {  	_ = 	snop  }
0x90: {  	s2 =	sld [smem:$0x3FC7];
	(tm) =	ssettm $0x1  }
0x91: {  	s18 =	sld [smem:$0x3FFB];
	_ =	sdelay $0x3  }
0x92: {  	_ =	strace s18  }
0x93: {  	s3 =	sld [smem:$0x3FFC];
	_ =	sdelay $0x3  }
0x94: {  	_ =	strace s3  }
0x95: {  	s3 =	sld [smem:$0x3FFD];
	_ =	sdelay $0x3  }
0x96: {  	_ =	strace s3  }
0x97: {  	_ =	strace $0x8FFFFFFF  }
0x98: {  	s19 =	sld [smem:$0x3FDB];
	_ =	sdelay $0x1  }
0x99: {  	s4 =	simm.s32 $_scs_section_size  }
0x9a: {  	s5 =	simm.s32 $_size__tile_overlayer_lowered;
	s6 =	simm.s32 $_tile_overlayer_lowered  }
0x9b: {  	s22 =	simm.s32 $0x1BFF;
	s21 =	sshll.u32 s6, $0x1;
	s3 =	sadd.s32 s4, s19  }
0x9c: {  	s7 =	simm.s32 $0x0;
	s20 =	sshll.u32 s5, $0x1;
	s5 =	sadd.s32 s21, s3  }
0x9d: {  	[timem:s7], [sflag:s22] =	dma.local [hbm:s5], s20  }
0x9e: {  	_ =	swait.ge [sflag:s22], s20  }
0x9f: {  	s4 =	ssub.s32 $0x0, s20;
	[sflag:s22] =	ssyncset.done $0x0  }
0xa0: {  	[sflag:s22] =	ssyncadd.s32 s4;
	_ =	sdelay $0x1  }
0xa1: {  	s23 =	simm.s32 $0x1B8B  }
0xa2: {  	_ =	swait.ge [sflag:s23], $0x1  }
0xa3: {  	[sflag:s23] =	ssyncset.done $0x0  }
0xa4: {  	s25 =	simm.s32 $0x1B8E;
	s24 =	sld [smem:$0x3FFE];
	[sflag:s23] =	ssyncadd.s32 $0xFFFFFFFF  }
0xa5: {  	s26 =	simm.s32 $execute0_lowered;
	[smem:$0x3FD2] =	sst s25  }
0xa6: {  	s5 =	sshll.u32 s26, $0x1;
	_ =	strace $0x80000046;
	[dreg:$0x1] =	wrdreg $0xFFFFFFFF  }
0xa7: {  	s28 =	simm.s32 $_size_execute0_lowered;
	s3 =	sadd.s32 s3, s5;
	[dreg:$0x0] =	wrdreg $0x0  }
0xa8: {  	s5 =	sshll.u32 s28, $0x1;
	[dreg:$0x2] =	wrdreg s3  }
0xa9: {  	[dreg:$0x3] =	wrdreg s5  }
0xaa: {  	[dreg:$0x4] =	wrdreg $0xC0  }
0xab: {  	_ =	task [dreg:s7], $0x5FFFF  }
0xac: {  	[dreg:$0x1] =	wrdreg $0xFFFFFFFF  }
0xad: {  	[dreg:$0x0] =	wrdreg $0x60  }
0xae: {  	[dreg:$0x2] =	wrdreg s24  }
0xaf: {  	[dreg:$0x3] =	wrdreg s2  }
0xb0: {  	[dreg:$0x4] =	wrdreg $0xCB200  }
0xb1: {  	[dreg:$0x5] =	wrdreg $0x9  }
0xb2: {  	_ =	task.clear_ibuf [dreg:s7], $0x6FFFF;
	_ =	strace $0x90000046  }
0xb3: {  	s29 =	simm.s32 $0x9;
	_ =	strace $0x80000048  }
0xb4: {  	_ =	swait.ge [sflag:s29], $0x1  }
0xb5: {  	[sflag:s29] =	ssyncadd.s32 $0xFFFFFFFF  }
0xb6: {  	_ =	strace $0x90000048  }
0xb7: {  	_ =	sfence  }
0xb8: {  	s30 =	sld [smem:$0x0];
	_ =	sdelay $0x2  }
0xb9: {  	s31 =	sshll.u32 s1, $0xD;
	s1 =	sshrl.u32 s1, $0x2  }
0xba: {  	s3 =	sand.u32 $0x4000, s31;
	s1 =	sadd.s32 s1, s30  }
0xbb: {  	s0 =	sor.u32 s3, s0;
	s1 =	sshll.u32 s1, $0x11  }
0xbc: {  	s0 =	sor.u32 s1, s0  }
0xbd: {  	s0 =	sadd.s32 $0x8F2B, s0  }
0xbe: {  	[sflag:s0] =	ssyncadd.remote.s32 $0x1  }
0xbf: {  	_ =	sfence.sel $0xFFFF  }
0xc0: {  	[dreg:$0x0] =	wrdreg $0xFFFFFFFF;
	(pc) =	sbr.abs _section_cstart, $3  }
0xc1: {  	[dreg:$0x1] =	wrdreg $0xFFFFFFFF  }
0xc2: {  	_ =	task.clear_ibuf [dreg:s7], $0x2FFFF;
	_ =	strace $0x9FFFFFFF  }
0xc3: {  	(tm) =	ssettm $0x7FFFFFFF  }
tec
execute0_lowered:
.L_overlay_start_1:
0x0: {  	(tag) =	ssettag $0x1  }
0x1: {  	s4 =	rddreg [dreg:$0x0]  }
0x2: {  	s0 =	srdreg.scid;
	s8 =	rddreg [dreg:$0x1]  }
0x3: {  	s10 =	stileid.u32;
	s1 =	rddreg [dreg:$0x2]  }
0x4: {  	s2 =	simm.s32 $0x0;
	s14 =	simm.s32 $0xBB80;
	s15 =	simm.s32 $0x2  }
0x5: {  	s16 =	simm.s32 $0x1;
	s5 =	sand.u32 $0x1, s0;
	s0 =	rddreg [dreg:$0x3]  }
0x6: {  	s17 =	simm.s32 $0x3E80;
	s31 =	sshll.u32 s10, $0x1;
	[smem:$0x7FF] =	sst s2  }
0x7: {  	p0 =	sne.s32 s10, $0x0;
	s12 =	sor.u32 s5, s31;
	_ =	strace $0x80000047  }
0x8: {  	s6 =	ssub.s32 $0x2, s5;
	s5 =	sshll.u32 s5, $0xA;
	s3 =	smul.u32 $0xFA0, s12  }
0x9: {  	s11 =	sshrl.u32 s6, $0x1;
	s13 =	sadd.s32 s5, s4;
	p1 =	sgt.u32 s12, $0x18  }
.Ltmp0:
0xa: {  	s12 =	simm.s32 $0xFA0;
	s11 =	ssub.s32 s6, s11;
	(pc) =	sbr.rel .LBB2_1-.Ltmp0, $4  }
0xb: {  	s9 =	sshrl.u32 s3, $0x3;
	s3 =	sadd.s32 $0xD000, s4;
	s10 =	smax.u32 s11, $0x1  }
0xc: {  	v0 =	vlaneseq.u32;
	s11 =	sshrl.u32 @!p0 s1, $0x3;
	s7 =	sadd.s32 s9, s4;
	s8 =	sadd.s32 s8, s9  }
0xd: {  	v0 =	vmul.u32 $0x8, v0;
	s9 =	sadd.s32 $0xD400, s13;
	s13 =	simm.s32 $0x2EE0;
	s4 =	sadd.s32 $0xC00, s7  }
0xe: {  	v1 =	vimm.f32 $1.000000000e+00;
	s5 =	sadd.s32 $0x3CD4, s7;
	s6 =	sadd.s32 $0x6DA8, s7;
	s7 =	sadd.s32 $0x9E7C, s7  }
.LBB2_4:
0xf: {  	v3 =	vld [tilespmem:s20+$0xFFFFE0C0];
	v2 =	vor.u32 v0, v2;
	_ =	sdelay $0x4  }
0x10: {  	[tilespmem:v2+s17+$0x0] =	vst.idx.msk $0xffff, v3  }
0x11: {  	v4 =	vor.u32 $0x1, v2;
	v3 =	vld [tilespmem:s20+$0xFFFFF060];
	_ =	sdelay $0x4  }
0x12: {  	[tilespmem:v4+s17+$0x0] =	vst.idx.msk $0xffff, v3  }
0x13: {  	v62 =	vor.u32 $0x2, v2;
	v3 =	vld [tilespmem:s20+$0x0];
	_ =	sdelay $0x4  }
0x14: {  	[tilespmem:v62+s17+$0x0] =	vst.idx.msk $0xffff, v3  }
0x15: {  	v63 =	vor.u32 $0x3, v2;
	v3 =	vld [tilespmem:s20+$0xFA0]  }
0x16: {  	v2 =	vor.u32 $0x4, v2;
	_ =	sdelay $0x3  }
0x17: {  	[tilespmem:v63+s17+$0x0] =	vst.idx.msk $0xffff, v3  }
0x18: {  	[tilespmem:v2+s17+$0x0] =	vst.idx.msk $0xffff, v1  }
0x19: {  	[spmem:s1] =	stream.indirect.scatter.add.f32 [tilespmem:s17], [sflag:$0x2], $0x8, s14, s12, $0xb8;
	[tilespmem:$0xCD20] =	vst v63  }
0x1a: {  	_ =	swait.ge [sflag:s15], $0x7D00  }
0x1b: {  	[sflag:s15] =	ssyncset.done $0x0  }
0x1c: {  	[sflag:s15] =	ssyncadd.s32 $0xFFFF8300  }
.LBB2_5:
0x1d: {  	s2 =	sadd.s32 $0x1, s2  }
0x1e: {  	p2 =	sne.s32 s2, s10  }
.Ltmp1:
0x1f: {  	[bflag:$0x0] =	sbarrier.arrive $0xFFFF;
	(pc) =	sbr.rel @!p2 .LBB2_6-.Ltmp1, $4  }
0x20: {  	[hbm:s9], [sflag:s19] =	dma.local @!p0 [spmem:s11], $0x400  }
0x21: {  	_ =	swait.ge @!p0 [sflag:s18], $0x400  }
0x22: {  	[sflag:s18] =	ssyncset.done @!p0 $0x0  }
0x23: {  	[sflag:s18] =	ssyncadd.s32 @!p0 $0xFFFFFC00  }
.LBB2_1:
0x24: {  	s19 =	simm.s32 @!p0 $0x1C02;
	s18 =	simm.s32 @!p0 $0x2  }
0x25: {  	[spmem:s11], [sflag:s19] =	dma.local @!p0 [hbm:s3], $0x400  }
.Ltmp2:
0x26: {  	_ =	swait.ge @!p0 [sflag:s18], $0x400;
	(pc) =	sbr.rel @p1 .LBB2_5-.Ltmp2, $3  }
0x27: {  	[sflag:s18] =	ssyncset.done @!p0 $0x0  }
0x28: {  	[sflag:s18] =	ssyncadd.s32 @!p0 $0xFFFFFC00  }
0x29: {  	[bflag:$0x0] =	sbarrier.arrive $0xFFFF;
	_ =	sdelay $0x1  }
0x2a: {  	s21 =	simm.s32 $0x0  }
0x2b: {  	[tilespmem:s21], [sflag:$0x1] =	stream.linear.gather [hbm4b:s4+s21], $0xFA0, $0x38;
	[tilespmem:$0xCD20] =	vst v63  }
0x2c: {  	_ = 	snop  }
0x2d: {  	[tilespmem:s12], [sflag:$0x1] =	stream.linear.gather [hbm4b:s5+s21], $0xFA0, $0x38;
	[tilespmem:$0xCD20] =	vst v63  }
0x2e: {  	s20 =	simm.s32 $0x1F40  }
0x2f: {  	[tilespmem:s20], [sflag:$0x1] =	stream.linear.gather [hbm4b:s6+s21], $0xFA0, $0x38;
	[tilespmem:$0xCD20] =	vst v63  }
0x30: {  	_ = 	snop  }
0x31: {  	[tilespmem:s13], [sflag:$0x1] =	stream.linear.gather [hbm4b:s7+s21], $0xFA0, $0x38;
	[tilespmem:$0xCD20] =	vst v63  }
0x32: {  	_ = 	snop  }
0x33: {  	[tilespmem:s14], [sflag:$0x2] =	stream.linear.gather [hbm4b:s8+s21], $0xFA0, $0x38;
	[tilespmem:$0xCD20] =	vst v63  }
0x34: {  	_ =	swait.ge [sflag:s15], $0xFA0  }
0x35: {  	[sflag:s15] =	ssyncset.done $0x0  }
0x36: {  	[sflag:s15] =	ssyncadd.s32 $0xFFFFF060  }
0x37: {  	_ =	swait.ge [sflag:s16], $0xFA0  }
0x38: {  	[sflag:s16] =	ssyncset.done $0x0  }
0x39: {  	[sflag:s16] =	ssyncadd.s32 $0xFFFFF060  }
0x3a: {  	_ =	swait.ge [sflag:s16], $0xFA0  }
0x3b: {  	[sflag:s16] =	ssyncset.done $0x0  }
0x3c: {  	[sflag:s16] =	ssyncadd.s32 $0xFFFFF060  }
0x3d: {  	_ =	swait.ge [sflag:s16], $0xFA0  }
0x3e: {  	[sflag:s16] =	ssyncset.done $0x0  }
0x3f: {  	[sflag:s16] =	ssyncadd.s32 $0xFFFFF060  }
0x40: {  	_ =	swait.ge [sflag:s16], $0xFA0  }
0x41: {  	v2 =	vmov s21;
	[sflag:s16] =	ssyncset.done $0x0  }
0x42: {  	v2 =	vshll.u32 v2, $0x3;
	s21 =	simm.s32 $0x10;
	[sflag:s16] =	ssyncadd.s32 $0xFFFFF060  }
.LBB2_3:
0x43: {  	p2 =	sne.s32 s21, $0xF90;
	v3 =	vld [tilespmem:s20+$0xFFFFE0C0];
	v2 =	vor.u32 v0, v2;
	_ =	sdelay $0x4  }
0x44: {  	[tilespmem:v2+s17+$0x0] =	vst.idx.msk $0xffff, v3  }
0x45: {  	v4 =	vor.u32 $0x1, v2;
	v3 =	vld [tilespmem:s20+$0xFFFFF060];
	_ =	sdelay $0x4  }
0x46: {  	[tilespmem:v4+s17+$0x0] =	vst.idx.msk $0xffff, v3  }
0x47: {  	v4 =	vor.u32 $0x2, v2;
	v3 =	vld [tilespmem:s20+$0x0];
	_ =	sdelay $0x4  }
0x48: {  	[tilespmem:v4+s17+$0x0] =	vst.idx.msk $0xffff, v3  }
0x49: {  	v4 =	vor.u32 $0x3, v2;
	v3 =	vld [tilespmem:s20+$0xFA0]  }
0x4a: {  	v5 =	vor.u32 $0x4, v2  }
.Ltmp3:
0x4b: {  	(pc) =	sbr.rel @p2 .LBB2_3-.Ltmp3, $3  }
0x4c: {  	_ =	sdelay $0x1  }
0x4d: {  	v2 =	vmov s21;
	[tilespmem:v4+s17+$0x0] =	vst.idx.msk $0xffff, v3  }
0x4e: {  	s21 =	sadd.s32 $0x10, s21;
	v2 =	vshll.u32 v2, $0x3;
	s20 =	sadd.s32 $0x10, s20;
	[tilespmem:v5+s17+$0x0] =	vst.idx.msk $0xffff, v1  }
.Ltmp4:
0x4f: {  	_ = 	snop;
	(pc) =	sbr.rel .LBB2_4-.Ltmp4, $1  }
0x50: {  	_ =	sdelay $0x3  }
.LBB2_6:
0x51: {  	_ =	sfence.sel $0x180000  }
0x52: {  	[bflag:$0x0] =	sbarrier.arrive $0xFFFF  }
0x53: {  	_ =	strace $0x90000047  }
0x54: {  	s0 =	sadd.s32 @!p0 $0x100000, s0;
	[bflag:$0x2] =	sbarrier.arrive $0xFFFF  }
0x55: {  	[sflag:s0] =	ssyncadd.tile.s32 @!p0 $0x1;
	_ =	shalt  }
.Lfunc_end2:
_tile_overlayer_lowered:
.L_overlay_start_2:
0x56: {  	(tag) =	ssettag $0x2  }
0x57: {  	s0 =	rddreg [dreg:$0x0];
	s2 =	stileid.u32  }
0x58: {  	s1 =	rddreg [dreg:$0x1];
	p0 =	sne.s32 s2, $0x0  }
0x59: {  	s3 =	rddreg [dreg:$0x2];
	[bflag:$0x3] =	sbarrier.arrive $0xFFFF;
	s2 =	simm.s32 @!p0 $0x1C02  }
0x5a: {  	[timem:s3], [sflag:s2] =	dma.local @!p0 [hbm:s0], s1  }
0x5b: {  	s0 =	simm.s32 @!p0 $0x2  }
0x5c: {  	_ =	swait.ge @!p0 [sflag:s0], s1  }
0x5d: {  	s1 =	ssub.s32 @!p0 $0x0, s1;
	[sflag:s0] =	ssyncset.done @!p0 $0x0  }
0x5e: {  	[sflag:s0] =	ssyncadd.s32 @!p0 s1  }
0x5f: {  	[bflag:$0x3] =	sbarrier.arrive $0xFFFF  }
0x60: {  	_ =	shalt  }

</sc_bundles>
